<compile_context>
chip_gen: v7x
topology: tpu7x:2x2x1
jax: 0.10.2.dev20260603
libtpu: 0.0.44.dev20260713+nightly
codegen_flags: <defaults>
</compile_context>

<pallas_src>
import functools

import jax
import jax.numpy as jnp
from jax import lax
from jax.experimental import pallas as pl
from jax.experimental.pallas import tpu as pltpu
from jax.experimental.pallas import tpu_sc as plsc

_C = 19
_B = 2048
_HSIZE = 2 * _C * _B
_NW = 32
_LANES = 16


def _binner_body(logits_ref, labels_ref, out_ref):
    x = logits_ref[...]
    lab = labels_ref[...]
    m = jnp.max(x, axis=1, keepdims=True)
    ex = jnp.exp(x - m)
    p = ex / jnp.sum(ex, axis=1, keepdims=True)
    classes = lax.broadcasted_iota(jnp.int32, (1, _C), 1)
    fg = lab == classes
    err = jnp.where(fg, 1.0 - p, p)
    bins = jnp.minimum((err * _B).astype(jnp.int32), _B - 1)
    out_ref[...] = jnp.where(fg, _C * _B, 0) + classes * _B + bins


def _bin_indices(logits, labels, blk):
    n = logits.shape[0]
    labels2 = labels.astype(jnp.int32).reshape(n, 1)
    return pl.pallas_call(
        _binner_body,
        grid=(n // blk,),
        in_specs=[
            pl.BlockSpec((blk, _C), lambda i: (i, 0)),
            pl.BlockSpec((blk, 1), lambda i: (i, 0)),
        ],
        out_specs=pl.BlockSpec((blk, _C), lambda i: (i, 0)),
        out_shape=jax.ShapeDtypeStruct((n, _C), jnp.int32),
    )(logits, labels2)


def _make_hist_kernel(per_tec, chunk):
    nchunk = per_tec // chunk
    mesh = plsc.VectorSubcoreMesh(core_axis_name="c", subcore_axis_name="s")

    @functools.partial(
        pl.kernel,
        mesh=mesh,
        out_type=jax.ShapeDtypeStruct((_NW, _HSIZE), jnp.int32),
        scratch_types=[
            pltpu.VMEM((_HSIZE,), jnp.int32),
            pltpu.VMEM((chunk,), jnp.int32),
        ],
        compiler_params=pltpu.CompilerParams(needs_layout_passes=False),
    )
    def hist_kernel(idx_hbm, out_hbm, hist, stage):
        wid = lax.axis_index("s") * 2 + lax.axis_index("c")
        zeros = jnp.zeros((_LANES,), jnp.int32)
        ones = jnp.ones((_LANES,), jnp.int32)

        def zero_body(i, carry):
            hist[pl.ds(i * _LANES, _LANES)] = zeros
            return carry

        lax.fori_loop(0, _HSIZE // _LANES, zero_body, 0)

        base = wid * per_tec

        def chunk_body(k, carry):
            pltpu.sync_copy(idx_hbm.at[pl.ds(base + k * chunk, chunk)], stage)

            def inner(v, c2):
                idx = stage[pl.ds(v * _LANES, _LANES)]
                plsc.addupdate_scatter(hist, (idx,), ones)
                return c2

            lax.fori_loop(0, chunk // _LANES, inner, 0)
            return carry

        lax.fori_loop(0, nchunk, chunk_body, 0)
        pltpu.sync_copy(hist, out_hbm.at[wid])

    return hist_kernel


def _loss_body(hists_ref, out_ref):
    h = hists_ref[...].astype(jnp.float32)
    s = jnp.sum(h, axis=0)
    cnt = s[:_C] + s[_C:]
    fgc = s[_C:]
    both = jnp.concatenate([cnt, fgc], axis=0)
    sh = 1
    while sh < _B:
        zpad = jnp.zeros((2 * _C, sh), jnp.float32)
        both = both + jnp.concatenate([both[:, sh:], zpad], axis=1)
        sh *= 2
    k = both[:_C]
    f = both[_C:]
    gts = f[:, 0:1]
    denom = gts + k - f
    jac = jnp.where(denom > 0, 1.0 - (gts - f) / jnp.maximum(denom, 1.0), 0.0)
    lane = lax.broadcasted_iota(jnp.int32, (1, _B), 1)
    w = jnp.where(lane == 0, 0.5 / _B, 1.0 / _B)
    losses = jnp.sum(jac * w, axis=1)
    present = (gts[:, 0] > 0).astype(jnp.float32)
    out_ref[0, 0] = jnp.sum(losses * present) / jnp.sum(present)


def _finalize(hists):
    h3 = hists.reshape(_NW, 2 * _C, _B)
    out = pl.pallas_call(
        _loss_body,
        out_specs=pl.BlockSpec(memory_space=pltpu.SMEM),
        out_shape=jax.ShapeDtypeStruct((1, 1), jnp.float32),
    )(h3)
    return out[0, 0]


def _lovasz(logits, labels, blk, chunk):
    n = logits.shape[0]
    idx = _bin_indices(logits, labels, blk)
    per_tec = (n * _C) // _NW
    hists = _make_hist_kernel(per_tec, chunk)(idx.reshape(n * _C))
    return _finalize(hists)


def kernel(logits, labels):
    return _lovasz(logits, labels, blk=8192, chunk=8192)

# --- scband reference (transcript-rebuilt; emitter-appended) ---
"""Pipeline reference for scband-lovasz-loss-31997506355349 (READ-ONLY COPY).

The authoritative reference and input builder live on the scoring server;
editing this copy changes nothing except your own understanding.
"""

import jax, jax.numpy as jnp
import numpy as np


def lovasz_grad(gt_sorted):
    p = gt_sorted.shape[0]
    gts = gt_sorted.sum()
    intersection = gts - jnp.cumsum(gt_sorted.astype(jnp.float32), 0)
    union = gts + jnp.cumsum((1.0 - gt_sorted).astype(jnp.float32), 0)
    jaccard = 1.0 - intersection / union
    if p > 1:
        jaccard = jnp.concatenate([jaccard[:1], jaccard[1:] - jaccard[:-1]], axis=0)
    return jaccard


def lovasz_softmax_flat(probas, labels, valid):
    if probas.size == 0:
        return jnp.sum(probas * 0.0)
    C = probas.shape[1]
    vmask = valid.astype(jnp.float32)
    losses = []
    present = []
    for c in range(C):
        fg = ((labels == c) & valid).astype(jnp.float32)
        present.append(fg.sum() > 0)
        class_pred = probas[:, c]
        errors = jnp.abs(fg - class_pred) * vmask
        perm = jnp.argsort(-errors)  # descending sort permutation
        errors_sorted = errors[perm]
        fg_sorted = fg[perm]
        losses.append(jnp.dot(errors_sorted, lovasz_grad(fg_sorted)))
    losses = jnp.stack(losses)
    present = jnp.stack(present).astype(jnp.float32)
    return jnp.sum(losses * present) / jnp.sum(present)


def setup_inputs(seed: int = 0) -> dict:
    key = jax.random.key(seed)
    k1, k2 = jax.random.split(key)
    N, C = 1048576, 19
    logits = jax.random.normal(k1, (N, C), dtype=jnp.float32)
    labels = jax.random.randint(k2, (N,), 0, C, dtype=jnp.int64)
    return {"logits": logits, "labels": labels}


def reference(logits, labels):
    ignore_index = -1
    probas = jax.nn.softmax(logits, axis=1)
    valid = labels != ignore_index  # concrete mask (all True here)
    return lovasz_softmax_flat(probas, labels, valid)

if __name__ == "__main__":
    import jax
    _d = setup_inputs()
    print(jax.jit(kernel)(*tuple(_d.values())))

</pallas_src>

<mosaic_0001>
#map = affine_map<(d0, d1) -> (0)>
#map1 = affine_map<(d0, d1) -> (0, 0)>
module attributes {stable_mosaic.version = 14 : i64} {
  func.func @hist_kernel(%arg0: i32, %arg1: i32, %arg2: memref<19922944xi32, #tpu.memory_space<hbm>>, %arg3: memref<32x77824xi32, #tpu.memory_space<hbm>>, %arg4: memref<77824xi32, #tpu.memory_space<vmem>>, %arg5: memref<8192xi32, #tpu.memory_space<vmem>>) attributes {dimension_semantics = [#tpu.dimension_semantics<core_parallel>, #tpu.dimension_semantics<subcore_parallel>], iteration_bounds = array<i64: 2, 16>, scalar_prefetch = 0 : i64, scratch_operands = 2 : i64, tpu.core_type = #tpu.core_type<sc_vector_subcore>, window_params = [{transform_indices = #map}, {transform_indices = #map1}]} {
    %mul3A = arith.constant 2 : i32
    %mul3A_0 = arith.muli %arg1, %mul3A : i32
    %add3A = arith.addi %mul3A_0, %arg0 : i32
    %broadcast_in_dim3A = arith.constant 0 : i32
    %broadcast_in_dim3A_1 = vector.broadcast %broadcast_in_dim3A : i32 to vector<16xi32>
    %broadcast_in_dim3A_2 = arith.constant 1 : i32
    %broadcast_in_dim3A_3 = vector.broadcast %broadcast_in_dim3A_2 : i32 to vector<16xi32>
    %scan3A = arith.constant 0 : i32
    %scan3A_4 = arith.constant 0 : i32
    %scan3A_5 = arith.constant 4864 : i32
    %scan3A_6 = arith.addi %scan3A_4, %scan3A_5 : i32
    %scan3A_7 = arith.constant 1 : i32
    scf.for %scan3A_17 = %scan3A_4 to %scan3A_6 step %scan3A_7  : i32 {
      %mul3A_18 = arith.constant 16 : i32
      %mul3A_19 = arith.muli %scan3A_17, %mul3A_18 : i32
      %swap3A = arith.index_cast %mul3A_19 : i32 to index
      %swap3A_20 = tpu.vector_load %arg4[%swap3A] {strides = array<i32>} : memref<77824xi32, #tpu.memory_space<vmem>>, vector<16xi32>,
      tpu.vector_store %arg4[%swap3A], %broadcast_in_dim3A_1 {strides = array<i32>} : memref<77824xi32, #tpu.memory_space<vmem>>, vector<16xi32>,
    }
    %scan3A_8 = arith.constant 4864 : i32
    %mul3A_9 = arith.constant 622592 : i32
    %mul3A_10 = arith.muli %add3A, %mul3A_9 : i32
    %scan3A_11 = arith.constant 0 : i32
    %scan3A_12 = arith.constant 0 : i32
    %scan3A_13 = arith.constant 76 : i32
    %scan3A_14 = arith.addi %scan3A_12, %scan3A_13 : i32
    %scan3A_15 = arith.constant 1 : i32
    scf.for %scan3A_17 = %scan3A_12 to %scan3A_14 step %scan3A_15  : i32 {
      %mul3A_18 = arith.constant 8192 : i32
      %mul3A_19 = arith.muli %scan3A_17, %mul3A_18 : i32
      %add3A_20 = arith.addi %mul3A_10, %mul3A_19 : i32
      "tpu.region"() ({
        %run_scoped3A = tpu.sem_alloc : memref<!tpu.dma_semaphore, #tpu.memory_space<semaphore_mem>>
        %dma_start3A = tpu.memref_slice %arg2[%add3A_20] : memref<19922944xi32, #tpu.memory_space<hbm>> -> memref<8192xi32, #tpu.memory_space<hbm>>
        %dma_start3A_27 = tpu.memref_slice %arg2[%add3A_20] : memref<19922944xi32, #tpu.memory_space<hbm>> -> memref<8192xi32, #tpu.memory_space<hbm>>
        tpu.enqueue_dma source(%dma_start3A_27 : memref<8192xi32, #tpu.memory_space<hbm>>) target(%arg5 : memref<8192xi32, #tpu.memory_space<vmem>>) target_semaphore(%run_scoped3A : memref<!tpu.dma_semaphore, #tpu.memory_space<semaphore_mem>>)
        %dma_wait3A = tpu.memref_slice %arg2[%add3A_20] : memref<19922944xi32, #tpu.memory_space<hbm>> -> memref<8192xi32, #tpu.memory_space<hbm>>
        %dma_wait3A_28 = tpu.memref_slice %arg2[%add3A_20] : memref<19922944xi32, #tpu.memory_space<hbm>> -> memref<8192xi32, #tpu.memory_space<hbm>>
        tpu.wait_dma2 semaphore(%run_scoped3A : memref<!tpu.dma_semaphore, #tpu.memory_space<semaphore_mem>>) src(%dma_wait3A_28 : memref<8192xi32, #tpu.memory_space<hbm>>) dst(%arg5 : memref<8192xi32, #tpu.memory_space<vmem>>)
        tpu.yield
      }) : () -> ()
      %scan3A_21 = arith.constant 0 : i32
      %scan3A_22 = arith.constant 0 : i32
      %scan3A_23 = arith.constant 512 : i32
      %scan3A_24 = arith.addi %scan3A_22, %scan3A_23 : i32
      %scan3A_25 = arith.constant 1 : i32
      scf.for %scan3A_27 = %scan3A_22 to %scan3A_24 step %scan3A_25  : i32 {
        %mul3A_28 = arith.constant 16 : i32
        %mul3A_29 = arith.muli %scan3A_27, %mul3A_28 : i32
        %get3A = arith.index_cast %mul3A_29 : i32 to index
        %get3A_30 = tpu.vector_load %arg5[%get3A] {strides = array<i32>} : memref<8192xi32, #tpu.memory_space<vmem>>, vector<16xi32>,
        tpu.vector_store_idx %arg4[%get3A_30], %broadcast_in_dim3A_3 {add = true} : memref<77824xi32, #tpu.memory_space<vmem>>[vector<16xi32>], vector<16xi32>,
      }
      %scan3A_26 = arith.constant 512 : i32
    }
    %scan3A_16 = arith.constant 76 : i32
    "tpu.region"() ({
      %run_scoped3A = tpu.sem_alloc : memref<!tpu.dma_semaphore, #tpu.memory_space<semaphore_mem>>
      %dma_start3A = arith.constant 0 : i32
      %dma_start3A_17 = tpu.memref_slice %arg3[%add3A, %dma_start3A] : memref<32x77824xi32, #tpu.memory_space<hbm>> -> memref<1x77824xi32, #tpu.memory_space<hbm>>
      %dma_start3A_18 = tpu.memref_squeeze %dma_start3A_17 : memref<1x77824xi32, #tpu.memory_space<hbm>> -> memref<77824xi32, #tpu.memory_space<hbm>>
      %dma_start3A_19 = arith.constant 0 : i32
      %dma_start3A_20 = tpu.memref_slice %arg3[%add3A, %dma_start3A_19] : memref<32x77824xi32, #tpu.memory_space<hbm>> -> memref<1x77824xi32, #tpu.memory_space<hbm>>
      %dma_start3A_21 = tpu.memref_squeeze %dma_start3A_20 : memref<1x77824xi32, #tpu.memory_space<hbm>> -> memref<77824xi32, #tpu.memory_space<hbm>>
      tpu.enqueue_dma source(%arg4 : memref<77824xi32, #tpu.memory_space<vmem>>) target(%dma_start3A_21 : memref<77824xi32, #tpu.memory_space<hbm>>) target_semaphore(%run_scoped3A : memref<!tpu.dma_semaphore, #tpu.memory_space<semaphore_mem>>)
      %dma_wait3A = arith.constant 0 : i32
      %dma_wait3A_22 = tpu.memref_slice %arg3[%add3A, %dma_wait3A] : memref<32x77824xi32, #tpu.memory_space<hbm>> -> memref<1x77824xi32, #tpu.memory_space<hbm>>
      %dma_wait3A_23 = tpu.memref_squeeze %dma_wait3A_22 : memref<1x77824xi32, #tpu.memory_space<hbm>> -> memref<77824xi32, #tpu.memory_space<hbm>>
      %dma_wait3A_24 = arith.constant 0 : i32
      %dma_wait3A_25 = tpu.memref_slice %arg3[%add3A, %dma_wait3A_24] : memref<32x77824xi32, #tpu.memory_space<hbm>> -> memref<1x77824xi32, #tpu.memory_space<hbm>>
      %dma_wait3A_26 = tpu.memref_squeeze %dma_wait3A_25 : memref<1x77824xi32, #tpu.memory_space<hbm>> -> memref<77824xi32, #tpu.memory_space<hbm>>
      tpu.wait_dma2 semaphore(%run_scoped3A : memref<!tpu.dma_semaphore, #tpu.memory_space<semaphore_mem>>) src(%arg4 : memref<77824xi32, #tpu.memory_space<vmem>>) dst(%dma_wait3A_26 : memref<77824xi32, #tpu.memory_space<hbm>>)
      tpu.yield
    }) : () -> ()
    return
  }
}

module attributes {stable_mosaic.version = 14 : i64} {
  func.func @_binner_body(%arg0: i32, %arg1: memref<8192x19xf32, #tpu.memory_space<vmem>>, %arg2: memref<8192x1xi32, #tpu.memory_space<vmem>>, %arg3: memref<8192x19xi32, #tpu.memory_space<vmem>>) attributes {dimension_semantics = [#tpu.dimension_semantics<arbitrary>], iteration_bounds = array<i64: 128>, scalar_prefetch = 0 : i64, scratch_operands = 0 : i64, tpu.core_type = #tpu.core_type<tc>, window_params = [{transform_indices = @transform_0, window_bounds = array<i64: 8192, 19>}, {transform_indices = @transform_1, window_bounds = array<i64: 8192, 1>}, {transform_indices = @transform_2, window_bounds = array<i64: 8192, 19>}]} {
    %get3A = arith.constant 0 : index
    %get3A_0 = arith.constant 0 : index
    %get3A_1 = vector.load %arg1[%get3A, %get3A_0] : memref<8192x19xf32, #tpu.memory_space<vmem>>, vector<8192x19xf32>
    %get3A_2 = arith.constant 0 : index
    %get3A_3 = arith.constant 0 : index
    %get3A_4 = vector.load %arg2[%get3A_2, %get3A_3] : memref<8192x1xi32, #tpu.memory_space<vmem>>, vector<8192x1xi32>
    %reduce_max3A = arith.constant dense<0xFF800000> : vector<8192xf32>
    %reduce_max3A_5 = vector.multi_reduction <maximumf>, %get3A_1, %reduce_max3A [1] : vector<8192x19xf32> to vector<8192xf32>
    %broadcast_in_dim3A = vector.shape_cast %reduce_max3A_5 : vector<8192xf32> to vector<8192x1xf32>
    %sub3A = vector.broadcast %broadcast_in_dim3A : vector<8192x1xf32> to vector<8192x19xf32>
    %sub3A_6 = arith.subf %get3A_1, %sub3A : vector<8192x19xf32>
    %exp3A = math.exp %sub3A_6 : vector<8192x19xf32>
    %reduce_sum3A = arith.constant dense<0.000000e+00> : vector<8192xf32>
    %reduce_sum3A_7 = vector.multi_reduction <add>, %exp3A, %reduce_sum3A [1] : vector<8192x19xf32> to vector<8192xf32>
    %broadcast_in_dim3A_8 = vector.shape_cast %reduce_sum3A_7 : vector<8192xf32> to vector<8192x1xf32>
    %div3A = vector.broadcast %broadcast_in_dim3A_8 : vector<8192x1xf32> to vector<8192x19xf32>
    %div3A_9 = arith.divf %exp3A, %div3A : vector<8192x19xf32>
    %iota3A = tpu.iota {dimensions = array<i32: 1>} : vector<1x19xi32>
    %eq3A = vector.broadcast %get3A_4 : vector<8192x1xi32> to vector<8192x19xi32>
    %eq3A_10 = vector.broadcast %iota3A : vector<1x19xi32> to vector<8192x19xi32>
    %eq3A_11 = arith.cmpi eq, %eq3A, %eq3A_10 : vector<8192x19xi32>
    %sub3A_12 = arith.constant 1.000000e+00 : f32
    %sub3A_13 = vector.broadcast %sub3A_12 : f32 to vector<8192x19xf32>
    %sub3A_14 = arith.subf %sub3A_13, %div3A_9 : vector<8192x19xf32>
    %select_n3A = arith.select %eq3A_11, %sub3A_14, %div3A_9 : vector<8192x19xi1>, vector<8192x19xf32>
    %mul3A = arith.constant 2.048000e+03 : f32
    %mul3A_15 = vector.broadcast %mul3A : f32 to vector<8192x19xf32>
    %mul3A_16 = arith.mulf %select_n3A, %mul3A_15 : vector<8192x19xf32>
    %convert_element_type3A = arith.fptosi %mul3A_16 : vector<8192x19xf32> to vector<8192x19xi32>
    %min3A = arith.constant 2047 : i32
    %min3A_17 = vector.broadcast %min3A : i32 to vector<8192x19xi32>
    %min3A_18 = arith.minsi %convert_element_type3A, %min3A_17 : vector<8192x19xi32>
    %jit3A = arith.constant 38912 : i32
    %jit3A_19 = arith.constant 0 : i32
    %broadcast_in_dim3A_20 = vector.broadcast %jit3A : i32 to vector<8192x19xi32>
    %broadcast_in_dim3A_21 = vector.broadcast %jit3A_19 : i32 to vector<8192x19xi32>
    %select_n3A_22 = arith.select %eq3A_11, %broadcast_in_dim3A_20, %broadcast_in_dim3A_21 : vector<8192x19xi1>, vector<8192x19xi32>
    %mul3A_23 = arith.constant 2048 : i32
    %mul3A_24 = vector.broadcast %mul3A_23 : i32 to vector<1x19xi32>
    %mul3A_25 = arith.muli %iota3A, %mul3A_24 : vector<1x19xi32>
    %add3A = vector.broadcast %mul3A_25 : vector<1x19xi32> to vector<8192x19xi32>
    %add3A_26 = arith.addi %select_n3A_22, %add3A : vector<8192x19xi32>
    %add3A_27 = arith.addi %add3A_26, %min3A_18 : vector<8192x19xi32>
    %swap3A = arith.constant 0 : index
    %swap3A_28 = arith.constant 0 : index
    %swap3A_29 = vector.load %arg3[%swap3A, %swap3A_28] : memref<8192x19xi32, #tpu.memory_space<vmem>>, vector<8192x19xi32>
    tpu.vector_store %arg3[%swap3A, %swap3A_28], %add3A_27 {strides = array<i32>} : memref<8192x19xi32, #tpu.memory_space<vmem>>, vector<8192x19xi32>,
    return
  }
  func.func @transform_0(%arg0: i32) -> (i32, i32) {
    %c0_i32 = arith.constant 0 : i32
    %c0_i32_0 = arith.constant 0 : i32
    return %arg0, %c0_i32 : i32, i32
  }
  func.func @transform_1(%arg0: i32) -> (i32, i32) {
    %c0_i32 = arith.constant 0 : i32
    %c0_i32_0 = arith.constant 0 : i32
    return %arg0, %c0_i32 : i32, i32
  }
  func.func @transform_2(%arg0: i32) -> (i32, i32) {
    %c0_i32 = arith.constant 0 : i32
    %c0_i32_0 = arith.constant 0 : i32
    return %arg0, %c0_i32 : i32, i32
  }
}

module attributes {stable_mosaic.version = 14 : i64} {
  func.func @_loss_body(%arg0: memref<32x38x2048xi32, #tpu.memory_space<vmem>>, %arg1: memref<1x1xf32, #tpu.memory_space<smem>>) attributes {dimension_semantics = [], scalar_prefetch = 0 : i64, scratch_operands = 0 : i64, tpu.core_type = #tpu.core_type<tc>} {
    %get3A = arith.constant 0 : index
    %get3A_0 = arith.constant 0 : index
    %get3A_1 = arith.constant 0 : index
    %get3A_2 = vector.load %arg0[%get3A, %get3A_0, %get3A_1] : memref<32x38x2048xi32, #tpu.memory_space<vmem>>, vector<32x38x2048xi32>
    %convert_element_type3A = arith.sitofp %get3A_2 : vector<32x38x2048xi32> to vector<32x38x2048xf32>
    %reduce_sum3A = arith.constant dense<0.000000e+00> : vector<38x2048xf32>
    %reduce_sum3A_3 = vector.multi_reduction <add>, %convert_element_type3A, %reduce_sum3A [0] : vector<32x38x2048xf32> to vector<38x2048xf32>
    %slice3A = vector.extract_strided_slice %reduce_sum3A_3 {offsets = [0, 0], sizes = [19, 2048], strides = [1, 1]} : vector<38x2048xf32> to vector<19x2048xf32>
    %slice3A_4 = vector.extract_strided_slice %reduce_sum3A_3 {offsets = [19, 0], sizes = [19, 2048], strides = [1, 1]} : vector<38x2048xf32> to vector<19x2048xf32>
    %add3A = arith.addf %slice3A, %slice3A_4 : vector<19x2048xf32>
    %slice3A_5 = vector.extract_strided_slice %reduce_sum3A_3 {offsets = [19, 0], sizes = [19, 2048], strides = [1, 1]} : vector<38x2048xf32> to vector<19x2048xf32>
    %concatenate3A = tpu.concatenate %add3A, %slice3A_5 in 0 : vector<19x2048xf32>, vector<19x2048xf32> -> vector<38x2048xf32>
    %broadcast_in_dim3A = arith.constant 0.000000e+00 : f32
    %broadcast_in_dim3A_6 = vector.broadcast %broadcast_in_dim3A : f32 to vector<38x1xf32>
    %slice3A_7 = vector.extract_strided_slice %concatenate3A {offsets = [0, 1], sizes = [38, 2047], strides = [1, 1]} : vector<38x2048xf32> to vector<38x2047xf32>
    %concatenate3A_8 = tpu.concatenate %slice3A_7, %broadcast_in_dim3A_6 in 1 : vector<38x2047xf32>, vector<38x1xf32> -> vector<38x2048xf32>
    %add3A_9 = arith.addf %concatenate3A, %concatenate3A_8 : vector<38x2048xf32>
    %broadcast_in_dim3A_10 = arith.constant 0.000000e+00 : f32
    %broadcast_in_dim3A_11 = vector.broadcast %broadcast_in_dim3A_10 : f32 to vector<38x2xf32>
    %slice3A_12 = vector.extract_strided_slice %add3A_9 {offsets = [0, 2], sizes = [38, 2046], strides = [1, 1]} : vector<38x2048xf32> to vector<38x2046xf32>
    %concatenate3A_13 = tpu.concatenate %slice3A_12, %broadcast_in_dim3A_11 in 1 : vector<38x2046xf32>, vector<38x2xf32> -> vector<38x2048xf32>
    %add3A_14 = arith.addf %add3A_9, %concatenate3A_13 : vector<38x2048xf32>
    %broadcast_in_dim3A_15 = arith.constant 0.000000e+00 : f32
    %broadcast_in_dim3A_16 = vector.broadcast %broadcast_in_dim3A_15 : f32 to vector<38x4xf32>
    %slice3A_17 = vector.extract_strided_slice %add3A_14 {offsets = [0, 4], sizes = [38, 2044], strides = [1, 1]} : vector<38x2048xf32> to vector<38x2044xf32>
    %concatenate3A_18 = tpu.concatenate %slice3A_17, %broadcast_in_dim3A_16 in 1 : vector<38x2044xf32>, vector<38x4xf32> -> vector<38x2048xf32>
    %add3A_19 = arith.addf %add3A_14, %concatenate3A_18 : vector<38x2048xf32>
    %broadcast_in_dim3A_20 = arith.constant 0.000000e+00 : f32
    %broadcast_in_dim3A_21 = vector.broadcast %broadcast_in_dim3A_20 : f32 to vector<38x8xf32>
    %slice3A_22 = vector.extract_strided_slice %add3A_19 {offsets = [0, 8], sizes = [38, 2040], strides = [1, 1]} : vector<38x2048xf32> to vector<38x2040xf32>
    %concatenate3A_23 = tpu.concatenate %slice3A_22, %broadcast_in_dim3A_21 in 1 : vector<38x2040xf32>, vector<38x8xf32> -> vector<38x2048xf32>
    %add3A_24 = arith.addf %add3A_19, %concatenate3A_23 : vector<38x2048xf32>
    %broadcast_in_dim3A_25 = arith.constant 0.000000e+00 : f32
    %broadcast_in_dim3A_26 = vector.broadcast %broadcast_in_dim3A_25 : f32 to vector<38x16xf32>
    %slice3A_27 = vector.extract_strided_slice %add3A_24 {offsets = [0, 16], sizes = [38, 2032], strides = [1, 1]} : vector<38x2048xf32> to vector<38x2032xf32>
    %concatenate3A_28 = tpu.concatenate %slice3A_27, %broadcast_in_dim3A_26 in 1 : vector<38x2032xf32>, vector<38x16xf32> -> vector<38x2048xf32>
    %add3A_29 = arith.addf %add3A_24, %concatenate3A_28 : vector<38x2048xf32>
    %broadcast_in_dim3A_30 = arith.constant 0.000000e+00 : f32
    %broadcast_in_dim3A_31 = vector.broadcast %broadcast_in_dim3A_30 : f32 to vector<38x32xf32>
    %slice3A_32 = vector.extract_strided_slice %add3A_29 {offsets = [0, 32], sizes = [38, 2016], strides = [1, 1]} : vector<38x2048xf32> to vector<38x2016xf32>
    %concatenate3A_33 = tpu.concatenate %slice3A_32, %broadcast_in_dim3A_31 in 1 : vector<38x2016xf32>, vector<38x32xf32> -> vector<38x2048xf32>
    %add3A_34 = arith.addf %add3A_29, %concatenate3A_33 : vector<38x2048xf32>
    %broadcast_in_dim3A_35 = arith.constant 0.000000e+00 : f32
    %broadcast_in_dim3A_36 = vector.broadcast %broadcast_in_dim3A_35 : f32 to vector<38x64xf32>
    %slice3A_37 = vector.extract_strided_slice %add3A_34 {offsets = [0, 64], sizes = [38, 1984], strides = [1, 1]} : vector<38x2048xf32> to vector<38x1984xf32>
    %concatenate3A_38 = tpu.concatenate %slice3A_37, %broadcast_in_dim3A_36 in 1 : vector<38x1984xf32>, vector<38x64xf32> -> vector<38x2048xf32>
    %add3A_39 = arith.addf %add3A_34, %concatenate3A_38 : vector<38x2048xf32>
    %broadcast_in_dim3A_40 = arith.constant 0.000000e+00 : f32
    %broadcast_in_dim3A_41 = vector.broadcast %broadcast_in_dim3A_40 : f32 to vector<38x128xf32>
    %slice3A_42 = vector.extract_strided_slice %add3A_39 {offsets = [0, 128], sizes = [38, 1920], strides = [1, 1]} : vector<38x2048xf32> to vector<38x1920xf32>
    %concatenate3A_43 = tpu.concatenate %slice3A_42, %broadcast_in_dim3A_41 in 1 : vector<38x1920xf32>, vector<38x128xf32> -> vector<38x2048xf32>
    %add3A_44 = arith.addf %add3A_39, %concatenate3A_43 : vector<38x2048xf32>
    %broadcast_in_dim3A_45 = arith.constant 0.000000e+00 : f32
    %broadcast_in_dim3A_46 = vector.broadcast %broadcast_in_dim3A_45 : f32 to vector<38x256xf32>
    %slice3A_47 = vector.extract_strided_slice %add3A_44 {offsets = [0, 256], sizes = [38, 1792], strides = [1, 1]} : vector<38x2048xf32> to vector<38x1792xf32>
    %concatenate3A_48 = tpu.concatenate %slice3A_47, %broadcast_in_dim3A_46 in 1 : vector<38x1792xf32>, vector<38x256xf32> -> vector<38x2048xf32>
    %add3A_49 = arith.addf %add3A_44, %concatenate3A_48 : vector<38x2048xf32>
    %broadcast_in_dim3A_50 = arith.constant 0.000000e+00 : f32
    %broadcast_in_dim3A_51 = vector.broadcast %broadcast_in_dim3A_50 : f32 to vector<38x512xf32>
    %slice3A_52 = vector.extract_strided_slice %add3A_49 {offsets = [0, 512], sizes = [38, 1536], strides = [1, 1]} : vector<38x2048xf32> to vector<38x1536xf32>
    %concatenate3A_53 = tpu.concatenate %slice3A_52, %broadcast_in_dim3A_51 in 1 : vector<38x1536xf32>, vector<38x512xf32> -> vector<38x2048xf32>
    %add3A_54 = arith.addf %add3A_49, %concatenate3A_53 : vector<38x2048xf32>
    %broadcast_in_dim3A_55 = arith.constant 0.000000e+00 : f32
    %broadcast_in_dim3A_56 = vector.broadcast %broadcast_in_dim3A_55 : f32 to vector<38x1024xf32>
    %slice3A_57 = vector.extract_strided_slice %add3A_54 {offsets = [0, 1024], sizes = [38, 1024], strides = [1, 1]} : vector<38x2048xf32> to vector<38x1024xf32>
    %concatenate3A_58 = tpu.concatenate %slice3A_57, %broadcast_in_dim3A_56 in 1 : vector<38x1024xf32>, vector<38x1024xf32> -> vector<38x2048xf32>
    %add3A_59 = arith.addf %add3A_54, %concatenate3A_58 : vector<38x2048xf32>
    %slice3A_60 = vector.extract_strided_slice %add3A_59 {offsets = [0, 0], sizes = [19, 2048], strides = [1, 1]} : vector<38x2048xf32> to vector<19x2048xf32>
    %slice3A_61 = vector.extract_strided_slice %add3A_59 {offsets = [19, 0], sizes = [19, 2048], strides = [1, 1]} : vector<38x2048xf32> to vector<19x2048xf32>
    %slice3A_62 = vector.extract_strided_slice %slice3A_61 {offsets = [0, 0], sizes = [19, 1], strides = [1, 1]} : vector<19x2048xf32> to vector<19x1xf32>
    %add3A_63 = vector.broadcast %slice3A_62 : vector<19x1xf32> to vector<19x2048xf32>
    %add3A_64 = arith.addf %add3A_63, %slice3A_60 : vector<19x2048xf32>
    %sub3A = arith.subf %add3A_64, %slice3A_61 : vector<19x2048xf32>
    %gt3A = arith.constant 0.000000e+00 : f32
    %gt3A_65 = vector.broadcast %gt3A : f32 to vector<19x2048xf32>
    %gt3A_66 = arith.cmpf ogt, %sub3A, %gt3A_65 : vector<19x2048xf32>
    %sub3A_67 = vector.broadcast %slice3A_62 : vector<19x1xf32> to vector<19x2048xf32>
    %sub3A_68 = arith.subf %sub3A_67, %slice3A_61 : vector<19x2048xf32>
    %max3A = arith.constant 1.000000e+00 : f32
    %max3A_69 = vector.broadcast %max3A : f32 to vector<19x2048xf32>
    %max3A_70 = arith.maximumf %sub3A, %max3A_69 : vector<19x2048xf32>
    %div3A = arith.divf %sub3A_68, %max3A_70 : vector<19x2048xf32>
    %sub3A_71 = arith.constant 1.000000e+00 : f32
    %sub3A_72 = vector.broadcast %sub3A_71 : f32 to vector<19x2048xf32>
    %sub3A_73 = arith.subf %sub3A_72, %div3A : vector<19x2048xf32>
    %jit3A = arith.constant 0.000000e+00 : f32
    %broadcast_in_dim3A_74 = vector.broadcast %jit3A : f32 to vector<19x2048xf32>
    %select_n3A = arith.select %gt3A_66, %sub3A_73, %broadcast_in_dim3A_74 : vector<19x2048xi1>, vector<19x2048xf32>
    %iota3A = tpu.iota {dimensions = array<i32: 1>} : vector<1x2048xi32>
    %eq3A = arith.constant 0 : i32
    %eq3A_75 = vector.broadcast %eq3A : i32 to vector<1x2048xi32>
    %eq3A_76 = arith.cmpi eq, %iota3A, %eq3A_75 : vector<1x2048xi32>
    %jit3A_77 = arith.constant 2.44140625E-4 : f32
    %jit3A_78 = arith.constant 4.8828125E-4 : f32
    %broadcast_in_dim3A_79 = vector.broadcast %jit3A_77 : f32 to vector<1x2048xf32>
    %broadcast_in_dim3A_80 = vector.broadcast %jit3A_78 : f32 to vector<1x2048xf32>
    %select_n3A_81 = arith.select %eq3A_76, %broadcast_in_dim3A_79, %broadcast_in_dim3A_80 : vector<1x2048xi1>, vector<1x2048xf32>
    %mul3A = vector.broadcast %select_n3A_81 : vector<1x2048xf32> to vector<19x2048xf32>
    %mul3A_82 = arith.mulf %select_n3A, %mul3A : vector<19x2048xf32>
    %reduce_sum3A_83 = arith.constant dense<0.000000e+00> : vector<19xf32>
    %reduce_sum3A_84 = vector.multi_reduction <add>, %mul3A_82, %reduce_sum3A_83 [1] : vector<19x2048xf32> to vector<19xf32>
    %squeeze3A = vector.shape_cast %slice3A_62 : vector<19x1xf32> to vector<19xf32>
    %gt3A_85 = arith.constant 0.000000e+00 : f32
    %gt3A_86 = vector.broadcast %gt3A_85 : f32 to vector<19xf32>
    %gt3A_87 = arith.cmpf ogt, %squeeze3A, %gt3A_86 : vector<19xf32>
    %convert_element_type3A_88 = arith.extui %gt3A_87 : vector<19xi1> to vector<19xi32>
    %convert_element_type3A_89 = arith.sitofp %convert_element_type3A_88 : vector<19xi32> to vector<19xf32>
    %mul3A_90 = arith.mulf %reduce_sum3A_84, %convert_element_type3A_89 : vector<19xf32>
    %reduce_sum3A_91 = vector.shape_cast %mul3A_90 : vector<19xf32> to vector<1x19xf32>
    %reduce_sum3A_92 = arith.constant dense<0.000000e+00> : vector<1xf32>
    %reduce_sum3A_93 = vector.multi_reduction <add>, %reduce_sum3A_91, %reduce_sum3A_92 [1] : vector<1x19xf32> to vector<1xf32>
    %reduce_sum3A_94 = vector.shape_cast %reduce_sum3A_93 : vector<1xf32> to vector<1x1xf32>
    %reduce_sum3A_95 = vector.extract %reduce_sum3A_94[0, 0] : f32 from vector<1x1xf32>
    %reduce_sum3A_96 = vector.shape_cast %convert_element_type3A_89 : vector<19xf32> to vector<1x19xf32>
    %reduce_sum3A_97 = arith.constant dense<0.000000e+00> : vector<1xf32>
    %reduce_sum3A_98 = vector.multi_reduction <add>, %reduce_sum3A_96, %reduce_sum3A_97 [1] : vector<1x19xf32> to vector<1xf32>
    %reduce_sum3A_99 = vector.shape_cast %reduce_sum3A_98 : vector<1xf32> to vector<1x1xf32>
    %reduce_sum3A_100 = vector.extract %reduce_sum3A_99[0, 0] : f32 from vector<1x1xf32>
    %div3A_101 = arith.divf %reduce_sum3A_95, %reduce_sum3A_100 : f32
    %swap3A = arith.constant 0 : index
    %swap3A_102 = arith.constant 0 : index
    %swap3A_103 = memref.load %arg1[%swap3A, %swap3A_102] : memref<1x1xf32, #tpu.memory_space<smem>>
    memref.store %div3A_101, %arg1[%swap3A, %swap3A_102] : memref<1x1xf32, #tpu.memory_space<smem>>
    return
  }
}

</mosaic_0001>

<sc_bundles>
// kernel: kernel.5.cloned.1.call-start
scs
__scs_entry_jumppad:
0x0: {  	(pc) =	sbr.rel $0x88, $3  }
0x1: {  	(tag) =	ssettag $0x0;
	lr =	simm.s32 $0x1  }
0x2: {  	[smem:$0x3F9F] =	sst lr;
	_ =	strace $0xD0000000  }
0x3: {  	_ = 	snop  }
0x4: {  	_ = 	snop  }
0x5: {  	_ = 	snop  }
0x6: {  	_ = 	snop  }
0x7: {  	_ = 	snop  }
__scs_overlays_trampoline_lowered:
0x8: {  	[smem:$0x3FAE] =	sst s0  }
0x9: {  	[smem:$0x3FAF] =	sst s1  }
0xa: {  	[smem:$0x3FB0] =	sst s2  }
0xb: {  	[smem:$0x3FB1] =	sst s3  }
0xc: {  	[smem:$0x3FB2] =	sst s4  }
0xd: {  	[smem:$0x3FB3] =	sst s5  }
0xe: {  	[smem:$0x3FB4] =	sst s6  }
0xf: {  	[smem:$0x3FB5] =	sst s7  }
0x10: {  	[smem:$0x3FB6] =	sst s8  }
0x11: {  	[smem:$0x3FB7] =	sst s9;
	s0 =	simm.s32 @!p0 $0x0  }
0x12: {  	s1 =	sld [smem:$0x3F9D];
	s0 =	simm.s32 @p0 $0x1  }
0x13: {  	[smem:$0x3FB8] =	sst s0;
	s0 =	simm.s32 @!p1 $0x0  }
0x14: {  	s2 =	sld [smem:$0x3F9C];
	s0 =	simm.s32 @p1 $0x1  }
0x15: {  	[smem:$0x3FB9] =	sst s0;
	s0 =	simm.s32 @!p2 $0x0  }
0x16: {  	s3 =	sld [smem:$0x3FDB];
	s0 =	simm.s32 @p2 $0x1  }
0x17: {  	s4 =	simm.s32 $0x1BF5;
	[smem:$0x3FBB] =	sst s0  }
0x18: {  	s0 =	sld [smem:$0x3F9E];
	_ =	swait.ge [sflag:s4], $0x0  }
0x19: {  	s7 =	sld [smem:$0x3F9F]  }
0x1a: {  	s8 =	sadd.s32 $0xFFFFE003, lr  }
0x1b: {  	s9 =	sadd.s32 $0xFFFFFEF7, lr;
	s5 =	simm.s32 $0xFFFFFFFF;
	p2 =	slt.u32 s8, $0xFFFFF086  }
0x1c: {  	p1 =	slt.u32 s9, $0xF7A;
	s5 =	simm.s32 @!p2 $0x0  }
0x1d: {  	s5 =	simm.s32 @p1 $0x1;
	p0 =	seq.s32 s7, s2  }
0x1e: {  	s7 =	smul.u32 @!p0 $0xF7A, s2;
	p2 =	seq.s32 @!p0 s5, $0x0  }
0x1f: {  	s9 =	smul.u32 $0xF7A, s1;
	s8 =	simm.s32 @!p0 $0x1BF5;
	p2 =	por !p2, p0  }
0x20: {  	[sflag:s8] =	ssyncset.s32 @!p0 $0xFFFFF086;
	s6 =	sadd.s32 @!p0 s3, s7;
	s7 =	simm.s32 @!p0 $0x108  }
0x21: {  	s3 =	sadd.s32 s3, s9;
	s6 =	sadd.s32 @!p0 $0x88, s6;
	s7 =	simm.s32 @p2 $0x1082  }
0x22: {  	[simem:s7], [sflag:s8] =	dma.local @!p0 [hbm:s6], $0xF7A  }
0x23: {  	s9 =	sor.u32 $0xD0000000, s2;
	s6 =	simm.s32 $0x108;
	_ =	swait.ge @!p0 [sflag:s8], $0x0  }
0x24: {  	s3 =	sadd.s32 $0x88, s3;
	s6 =	simm.s32 @!p1 $0x1082;
	[sflag:s4] =	ssyncset.s32 $0xFFFFF086  }
0x25: {  	[simem:s6], [sflag:s4] =	dma.local [hbm:s3], $0xF7A  }
0x26: {  	[smem:$0x3F9F] =	sst s1;
	(tag) =	ssettag s2;
	_ =	strace s9  }
0x27: {  	s1 =	sld [smem:$0x3FAF]  }
0x28: {  	s2 =	sld [smem:$0x3FB0]  }
0x29: {  	s4 =	sld [smem:$0x3FB2]  }
0x2a: {  	p0 =	seq.s32 s5, $0x0;
	s5 =	sld [smem:$0x3FB3]  }
0x2b: {  	s6 =	sld [smem:$0x3FB4]  }
0x2c: {  	s7 =	sld [smem:$0x3FB5]  }
0x2d: {  	s3 =	simm.s32 $0x108;
	s8 =	sld [smem:$0x3FB6]  }
0x2e: {  	s3 =	simm.s32 @!p0 $0x1082;
	s9 =	sld [smem:$0x3FB7]  }
0x2f: {  	lr =	sadd.s32 s0, s3;
	s0 =	sld [smem:$0x3FAE]  }
0x30: {  	s3 =	sld [smem:$0x3FB1]  }
0x31: {  	[smem:$0x3FBA] =	sst s10  }
0x32: {  	s10 =	sld [smem:$0x3FB8];
	_ =	sdelay $0x3  }
0x33: {  	p0 =	seq.s32 s10, $0x1;
	s10 =	sld [smem:$0x3FBA];
	_ =	sdelay $0x3  }
0x34: {  	[smem:$0x3FBA] =	sst s10  }
0x35: {  	s10 =	sld [smem:$0x3FB9];
	_ =	sdelay $0x3  }
0x36: {  	p1 =	seq.s32 s10, $0x1;
	s10 =	sld [smem:$0x3FBA];
	_ =	sdelay $0x3  }
0x37: {  	[smem:$0x3FBA] =	sst s10  }
0x38: {  	s10 =	sld [smem:$0x3FBB]  }
0x39: {  	_ = 	snop;
	(pc) =	sbr.ind lr, $3  }
0x3a: {  	_ = 	snop  }
0x3b: {  	_ = 	snop  }
0x3c: {  	p2 =	seq.s32 s10, $0x1;
	s10 =	sld [smem:$0x3FBA]  }
0x3d: {  	_ =	shalt  }
0x3e: {  	_ =	shalt  }
0x3f: {  	_ =	shalt  }
0x40: {  	_ =	shalt  }
0x41: {  	_ =	shalt  }
0x42: {  	_ =	shalt  }
0x43: {  	_ =	shalt  }
0x44: {  	_ =	shalt  }
0x45: {  	_ =	shalt  }
0x46: {  	_ =	shalt  }
0x47: {  	_ =	shalt  }
0x48: {  	_ =	shalt  }
0x49: {  	_ =	shalt  }
0x4a: {  	_ =	shalt  }
0x4b: {  	_ =	shalt  }
0x4c: {  	_ =	shalt  }
0x4d: {  	_ =	shalt  }
0x4e: {  	_ =	shalt  }
0x4f: {  	_ =	shalt  }
0x50: {  	_ =	shalt  }
0x51: {  	_ =	shalt  }
0x52: {  	_ =	shalt  }
0x53: {  	_ =	shalt  }
0x54: {  	_ =	shalt  }
0x55: {  	_ =	shalt  }
0x56: {  	_ =	shalt  }
0x57: {  	_ =	shalt  }
0x58: {  	_ =	shalt  }
0x59: {  	_ =	shalt  }
0x5a: {  	_ =	shalt  }
0x5b: {  	_ =	shalt  }
0x5c: {  	_ =	shalt  }
0x5d: {  	_ =	shalt  }
0x5e: {  	_ =	shalt  }
0x5f: {  	_ =	shalt  }
0x60: {  	_ =	shalt  }
0x61: {  	_ =	shalt  }
0x62: {  	_ =	shalt  }
0x63: {  	_ =	shalt  }
0x64: {  	_ =	shalt  }
0x65: {  	_ =	shalt  }
0x66: {  	_ =	shalt  }
0x67: {  	_ =	shalt  }
0x68: {  	_ =	shalt  }
0x69: {  	_ =	shalt  }
0x6a: {  	_ =	shalt  }
0x6b: {  	_ =	shalt  }
0x6c: {  	_ =	shalt  }
0x6d: {  	_ =	shalt  }
0x6e: {  	_ =	shalt  }
0x6f: {  	_ =	shalt  }
0x70: {  	_ =	shalt  }
0x71: {  	_ =	shalt  }
0x72: {  	_ =	shalt  }
0x73: {  	_ =	shalt  }
0x74: {  	_ =	shalt  }
0x75: {  	_ =	shalt  }
0x76: {  	_ =	shalt  }
0x77: {  	_ =	shalt  }
0x78: {  	_ =	shalt  }
0x79: {  	_ =	shalt  }
0x7a: {  	_ =	shalt  }
0x7b: {  	_ =	shalt  }
0x7c: {  	_ =	shalt  }
0x7d: {  	_ =	shalt  }
0x7e: {  	_ =	shalt  }
0x7f: {  	_ =	shalt  }
0x80: {  	_ =	shalt  }
0x81: {  	_ =	shalt  }
0x82: {  	_ =	shalt  }
0x83: {  	_ =	shalt  }
0x84: {  	_ =	shalt  }
0x85: {  	_ =	shalt  }
0x86: {  	_ =	shalt  }
0x87: {  	_ =	shalt  }
.Lfunc_end0:
.L_simem_size_0:
called_computation_lowered:
.L_overlay_start_0:
0x88: {  	s2 =	sld [smem:$0x3FD9]  }
0x89: {  	s3 =	sld [smem:$0x3FFE];
	_ =	sdelay $0x1  }
0x8a: {  	s1 =	srdreg.scid  }
0x8b: {  	s0 =	sand.u32 $0x1, s1  }
0x8c: {  	s16 =	sshll.u32 s0, $0xA;
	s2 =	sadd.s32 s3, s2  }
0x8d: {  	s2 =	sadd.s32 s2, s16  }
0x8e: {  	[smem:$0x3FC6] =	sst s2  }
0x8f: {  	_ = 	snop  }
0x90: {  	(tm) =	ssettm $0x1  }
0x91: {  	s17 =	sld [smem:$0x3FFB];
	_ =	sdelay $0x3  }
0x92: {  	_ =	strace s17  }
0x93: {  	s2 =	sld [smem:$0x3FFC];
	_ =	sdelay $0x3  }
0x94: {  	_ =	strace s2  }
0x95: {  	s2 =	sld [smem:$0x3FFD];
	_ =	sdelay $0x3  }
0x96: {  	_ =	strace s2  }
0x97: {  	_ =	strace $0x8FFFFFFF  }
0x98: {  	s18 =	sld [smem:$0x3FDB];
	_ =	sdelay $0x1  }
0x99: {  	s19 =	simm.s32 $_scs_section_size  }
0x9a: {  	s4 =	simm.s32 $_size__tile_overlayer_lowered;
	s5 =	simm.s32 $_tile_overlayer_lowered  }
0x9b: {  	s22 =	simm.s32 $0x1BFF;
	s21 =	sshll.u32 s5, $0x1;
	s2 =	sadd.s32 s19, s18  }
0x9c: {  	s6 =	simm.s32 $0x0;
	s20 =	sshll.u32 s4, $0x1;
	s4 =	sadd.s32 s21, s2  }
0x9d: {  	[timem:s6], [sflag:s22] =	dma.local [hbm:s4], s20  }
0x9e: {  	_ =	swait.ge [sflag:s22], s20  }
0x9f: {  	s3 =	ssub.s32 $0x0, s20;
	[sflag:s22] =	ssyncset.done $0x0  }
0xa0: {  	[sflag:s22] =	ssyncadd.s32 s3;
	_ =	sdelay $0x1  }
0xa1: {  	s23 =	simm.s32 $0x1B8B  }
0xa2: {  	_ =	swait.ge [sflag:s23], $0x1  }
0xa3: {  	[sflag:s23] =	ssyncset.done $0x0  }
0xa4: {  	s25 =	simm.s32 $0x1B8E;
	s24 =	sld [smem:$0x3FFE];
	[sflag:s23] =	ssyncadd.s32 $0xFFFFFFFF  }
0xa5: {  	s26 =	simm.s32 $execute0_lowered;
	[smem:$0x3FD2] =	sst s25  }
0xa6: {  	s4 =	sshll.u32 s26, $0x1;
	_ =	strace $0x80000046;
	[dreg:$0x1] =	wrdreg $0xFFFFFFFF  }
0xa7: {  	s28 =	simm.s32 $_size_execute0_lowered;
	s2 =	sadd.s32 s2, s4;
	[dreg:$0x0] =	wrdreg $0x0  }
0xa8: {  	s4 =	sshll.u32 s28, $0x1;
	[dreg:$0x2] =	wrdreg s2  }
0xa9: {  	[dreg:$0x3] =	wrdreg s4  }
0xaa: {  	[dreg:$0x4] =	wrdreg $0xC0  }
0xab: {  	_ =	task [dreg:s6], $0x5FFFF  }
0xac: {  	[dreg:$0x1] =	wrdreg $0xFFFFFFFF  }
0xad: {  	[dreg:$0x0] =	wrdreg $0x60  }
0xae: {  	[dreg:$0x2] =	wrdreg s24  }
0xaf: {  	[dreg:$0x3] =	wrdreg $0x9  }
0xb0: {  	_ =	task.clear_ibuf [dreg:s6], $0x4FFFF;
	_ =	strace $0x90000046  }
0xb1: {  	s29 =	simm.s32 $0x9;
	_ =	strace $0x80000048  }
0xb2: {  	_ =	swait.ge [sflag:s29], $0x1  }
0xb3: {  	[sflag:s29] =	ssyncadd.s32 $0xFFFFFFFF  }
0xb4: {  	_ =	strace $0x90000048  }
0xb5: {  	_ =	sfence  }
0xb6: {  	s30 =	sld [smem:$0x0];
	_ =	sdelay $0x2  }
0xb7: {  	s31 =	sshll.u32 s1, $0xD;
	s1 =	sshrl.u32 s1, $0x2  }
0xb8: {  	s3 =	sand.u32 $0x4000, s31;
	s1 =	sadd.s32 s1, s30  }
0xb9: {  	s0 =	sor.u32 s3, s0;
	s1 =	sshll.u32 s1, $0x11  }
0xba: {  	s0 =	sor.u32 s1, s0  }
0xbb: {  	s0 =	sadd.s32 $0x8F2B, s0  }
0xbc: {  	[sflag:s0] =	ssyncadd.remote.s32 $0x1  }
0xbd: {  	_ =	sfence.sel $0xFFFF  }
0xbe: {  	[dreg:$0x0] =	wrdreg $0xFFFFFFFF;
	(pc) =	sbr.abs _section_cstart, $3  }
0xbf: {  	[dreg:$0x1] =	wrdreg $0xFFFFFFFF  }
0xc0: {  	_ =	task.clear_ibuf [dreg:s6], $0x2FFFF;
	_ =	strace $0x9FFFFFFF  }
0xc1: {  	(tm) =	ssettm $0x7FFFFFFF  }
tec
execute0_lowered:
.L_overlay_start_1:
0x0: {  	(tag) =	ssettag $0x1  }
0x1: {  	s1 =	srdreg.scid;
	s0 =	stileid.u32  }
0x2: {  	s5 =	rddreg [dreg:$0x0];
	s2 =	simm.s32 $0x0;
	s8 =	simm.s32 $0x1  }
0x3: {  	s9 =	simm.s32 $0x80;
	s3 =	sand.u32 $0x1, s1;
	s28 =	sshll.u32 s0, $0x1  }
0x4: {  	s10 =	simm.s32 $0x400;
	s29 =	sshrl.u32 s0, $0x2;
	s4 =	sor.u32 s3, s28  }
0x5: {  	s1 =	rddreg [dreg:$0x1];
	s6 =	smul.u32 $0x98000, s29;
	s7 =	sshll.u32 s4, $0x7  }
0x6: {  	s11 =	simm.s32 $0x0;
	[smem:$0x7FF] =	sst s2;
	s7 =	sand.u32 $0x380, s7  }
0x7: {  	_ =	strace $0x80000047;
	s30 =	ssub.s32 $0x2, s3;
	s6 =	sor.u32 s6, s7  }
0x8: {  	s3 =	sadd.s32 $0x600, s5;
	s31 =	sshrl.u32 s30, $0x1;
	s6 =	sshrl.u32 s6, $0x3  }
0x9: {  	s4 =	smul.u32 $0x98000, s4;
	s5 =	sadd.s32 s6, s5;
	s6 =	ssub.s32 s30, s31  }
0xa: {  	v0 =	vimm.s32 $0x0;
	v1 =	vimm.s32 $0x1;
	s7 =	simm.s32 $0x13000;
	s5 =	sadd.s32 $0x260600, s5;
	s6 =	smax.u32 s6, $0x1  }
.LBB2_1:
0xb: {  	s12 =	simm.s32 $0x40;
	s13 =	simm.s32 $0x0  }
.LBB2_2:
0xc: {  	p0 =	sne.s32 s12, $0x4BFC0;
	[tilespmem:s13+$0x0] =	vst v0;
	s13 =	smov.u32 s12;
	s12 =	sadd.s32 $0x40, s12  }
.Ltmp0:
0xd: {  	(pc) =	sbr.rel @p0 .LBB2_2-.Ltmp0, $2  }
0xe: {  	_ =	sdelay $0x2  }
0xf: {  	s13 =	sshra.s32 s13, $0x2  }
0x10: {  	[tilespmem:s13+$0x0] =	vst v0;
	s12 =	simm.s32 $0x0;
	s13 =	simm.s32 $0x0  }
.LBB2_4:
0x11: {  	s14 =	sshll.u32 s13, $0xD  }
0x12: {  	s14 =	sadd.s32 s4, s14  }
0x13: {  	s14 =	sshrl.u32 s14, $0x3  }
0x14: {  	s14 =	sadd.s32 s3, s14  }
0x15: {  	[tilespmem:s7], [sflag:$0x1] =	stream.linear.gather [hbm4b:s14+s12], $0x2000, $0x38;
	[tilespmem:$0x15000] =	vst v63  }
0x16: {  	_ =	swait.ge [sflag:s8], $0x2000  }
0x17: {  	[sflag:s8] =	ssyncset.done $0x0  }
0x18: {  	s15 =	simm.s32 $0x0;
	s14 =	simm.s32 $0x40;
	[sflag:s8] =	ssyncadd.s32 $0xFFFFE000  }
.LBB2_5:
0x19: {  	p0 =	sne.s32 s14, $0x7FC0;
	v2 =	vld [tilespmem:s15+$0x13000];
	_ =	sdelay $0x3  }
.Ltmp1:
0x1a: {  	(pc) =	sbr.rel @p0 .LBB2_5-.Ltmp1, $2  }
0x1b: {  	_ =	sdelay $0x2  }
0x1c: {  	s15 =	sshra.s32 s14, $0x2;
	s14 =	sadd.s32 $0x40, s14;
	[tilespmem:v2+s2+$0x0] =	vst.idx.add.s32.msk $0xffff, v1  }
0x1d: {  	v2 =	vld [tilespmem:s15+$0x13000];
	_ =	sdelay $0x1  }
0x1e: {  	s13 =	sadd.s32 $0x1, s13  }
0x1f: {  	p0 =	sne.s32 s13, $0x4C  }
.Ltmp2:
0x20: {  	_ = 	snop;
	(pc) =	sbr.rel @p0 .LBB2_4-.Ltmp2, $2  }
0x21: {  	_ =	sdelay $0x2  }
0x22: {  	[tilespmem:v2+s2+$0x0] =	vst.idx.add.s32.msk $0xffff, v1  }
0x23: {  	s11 =	sadd.s32 $0x1, s11  }
0x24: {  	p0 =	sne.s32 s11, s6  }
.Ltmp3:
0x25: {  	_ = 	snop;
	(pc) =	sbr.rel @p0 .LBB2_1-.Ltmp3, $4  }
0x26: {  	[hbm4b:s5+s9] =	stream.strided.scatter [tilespmem:s2], [sflag:$0x1], $0x13000, s10, s9, $0x38;
	[tilespmem:$0x15000] =	vst v63  }
0x27: {  	_ =	swait.ge [sflag:s8], $0x13000  }
0x28: {  	[sflag:s8] =	ssyncset.done $0x0  }
0x29: {  	[sflag:s8] =	ssyncadd.s32 $0xFFFED000  }
0x2a: {  	_ =	sfence.sel $0x180000  }
0x2b: {  	[bflag:$0x0] =	sbarrier.arrive $0xFFFF  }
0x2c: {  	p0 =	sne.s32 s0, $0x0;
	_ =	strace $0x90000047  }
0x2d: {  	s0 =	sadd.s32 @!p0 $0x100000, s1;
	[bflag:$0x2] =	sbarrier.arrive $0xFFFF  }
0x2e: {  	[sflag:s0] =	ssyncadd.tile.s32 @!p0 $0x1;
	_ =	shalt  }
.Lfunc_end2:
_tile_overlayer_lowered:
.L_overlay_start_2:
0x2f: {  	(tag) =	ssettag $0x2  }
0x30: {  	s0 =	rddreg [dreg:$0x0];
	s2 =	stileid.u32  }
0x31: {  	s1 =	rddreg [dreg:$0x1];
	p0 =	sne.s32 s2, $0x0  }
0x32: {  	s3 =	rddreg [dreg:$0x2];
	[bflag:$0x3] =	sbarrier.arrive $0xFFFF;
	s2 =	simm.s32 @!p0 $0x1C01  }
0x33: {  	[timem:s3], [sflag:s2] =	dma.local @!p0 [hbm:s0], s1  }
0x34: {  	s0 =	simm.s32 @!p0 $0x1  }
0x35: {  	_ =	swait.ge @!p0 [sflag:s0], s1  }
0x36: {  	s1 =	ssub.s32 @!p0 $0x0, s1;
	[sflag:s0] =	ssyncset.done @!p0 $0x0  }
0x37: {  	[sflag:s0] =	ssyncadd.s32 @!p0 s1  }
0x38: {  	[bflag:$0x3] =	sbarrier.arrive $0xFFFF  }
0x39: {  	_ =	shalt  }

</sc_bundles>
